<compile_context>
chip_gen: v7x
topology: tpu7x:2x2x1
jax: 0.10.2.dev20260603
libtpu: 0.0.44.dev20260713+nightly
codegen_flags: <defaults>
</compile_context>

<pallas_src>
import functools

import jax
import jax.numpy as jnp
from jax import lax
from jax.experimental import pallas as pl
from jax.experimental.pallas import tpu as pltpu
from jax.experimental.pallas import tpu_sc as plsc

_B, _F, _NC, _P = 8, 256, 1024, 576
_NBS = 4
_NSTEP = _B // _NBS
_SC_NC, _SC_NS, _L = 2, 16, 16
_NW = _SC_NC * _SC_NS
_FPW = _F // _NW
_PC = _P // _L


def _tc_body(x_ref, c_ref, idx_ref, loss_ref):
    g = pl.program_id(0)
    C = c_ref[...]
    c_sq = jnp.sum(C * C, axis=0, keepdims=True)
    partial = jnp.float32(0.0)
    for i in range(_NBS):
        xb = x_ref[i]
        S2 = jax.lax.dot_general(C, xb, (((0,), (0,)), ((), ())),
                                 preferred_element_type=jnp.float32)
        score = c_sq.T - 2.0 * S2
        idx_ref[i, 0] = jnp.argmin(score, axis=0)
        m = jnp.min(score, axis=0)
        x_sq = jnp.sum(xb * xb, axis=0)
        partial += jnp.sum(x_sq + m)

    @pl.when(g == 0)
    def _():
        loss_ref[0, 0] = 0.0

    loss_ref[0, 0] += partial

    @pl.when(g == _NSTEP - 1)
    def _():
        loss_ref[0, 0] = loss_ref[0, 0] / (_B * _F * _P)


def _sc_gather(c_hbm, idx_hbm, y_hbm, cflat, idxv, obuf):
    wid = lax.axis_index("s") * _SC_NC + lax.axis_index("c")
    f0 = wid * _FPW
    pltpu.sync_copy(c_hbm.at[pl.ds(f0 * _NC, _FPW * _NC)], cflat)
    pltpu.sync_copy(idx_hbm, idxv)

    def row(b, _):
        pbase = b * _P

        def chunk(c, _):
            o = c * _L
            iv = idxv[pl.ds(pbase + o, _L)]
            for fl in range(1):
                vals = plsc.load_gather(cflat, [iv + fl * _NC])
                obuf[b, fl, pl.ds(o, _L)] = vals
            return 0

        lax.fori_loop(0, _PC, chunk, 0, unroll=2)
        return 0

    lax.fori_loop(0, _B, row, 0)
    pltpu.sync_copy(obuf, y_hbm.at[:, pl.ds(f0, _FPW), :])


def kernel(x, centroids):
    x3 = x.reshape(_B, _F, _P)
    idx, loss = pl.pallas_call(
        _tc_body,
        grid=(_NSTEP,),
        in_specs=[
            pl.BlockSpec((_NBS, _F, _P), lambda g: (g, 0, 0)),
            pl.BlockSpec((_F, _NC), lambda g: (0, 0)),
        ],
        out_specs=[
            pl.BlockSpec((_NBS, 1, _P), lambda g: (g, 0, 0)),
            pl.BlockSpec(memory_space=pltpu.SMEM, block_shape=(1, 1),
                         index_map=lambda g: (0, 0)),
        ],
        out_shape=[
            jax.ShapeDtypeStruct((_B, 1, _P), jnp.int32),
            jax.ShapeDtypeStruct((1, 1), jnp.float32),
        ],
        compiler_params=pltpu.CompilerParams(
            dimension_semantics=("arbitrary",),
        ),
    )(x3, centroids)

    mesh = plsc.VectorSubcoreMesh(core_axis_name="c", subcore_axis_name="s")
    gather = functools.partial(
        pl.kernel,
        mesh=mesh,
        out_type=jax.ShapeDtypeStruct((_B, _F, _P), jnp.float32),
        scratch_types=[
            pltpu.VMEM((_FPW * _NC,), jnp.float32),
            pltpu.VMEM((_B * _P,), jnp.int32),
            pltpu.VMEM((_B, _FPW, _P), jnp.float32),
        ],
        compiler_params=pltpu.CompilerParams(needs_layout_passes=False),
    )(_sc_gather)
    y = gather(centroids.reshape(_F * _NC), idx.reshape(_B * _P))
    return y.reshape(_B, _F, 24, 24), loss[0, 0]

# --- scband reference (transcript-rebuilt; emitter-appended) ---
"""Pipeline reference for scband-centroids-25271587570291 (READ-ONLY COPY).

The authoritative reference and input builder live on the scoring server;
editing this copy changes nothing except your own understanding.
"""

import jax, jax.numpy as jnp
import numpy as np

N_FEATURES = 256
N_CENTROIDS = 1024

def setup_inputs(seed: int = 0) -> dict:
    key = jax.random.key(seed)
    k1, k2 = jax.random.split(key)
    x = jax.random.normal(k1, (8, N_FEATURES, 24, 24), dtype=jnp.float32)
    centroids = jax.random.normal(k2, (N_FEATURES, N_CENTROIDS), dtype=jnp.float32)
    return {"x": x, "centroids": centroids}

def reference(x, centroids):
    # Eval-mode forward of Centroids (VQ with EMA buffers; no buffer update in eval).
    n_features = centroids.shape[0]
    if x.ndim > 2:
        # torch: x.transpose(-1, 1) swaps dim 1 and last dim
        x_t = jnp.swapaxes(x, 1, -1)
        flat_shape = x_t.shape
        x_flat = x_t.reshape(-1, n_features)
    else:
        x_flat = x
        flat_shape = None
    x_flat_sq = jnp.sum(x_flat ** 2, axis=1, keepdims=True)
    centroids_sq = jnp.sum(centroids ** 2, axis=0, keepdims=True)
    # addmm(beta=1, alpha=-2): dist = (c_sq + x_sq) - 2 * x_flat @ centroids
    dist = (centroids_sq + x_flat_sq) - 2.0 * (x_flat @ centroids)
    centroids_ind = jnp.argmax(-dist, axis=1)
    # F.embedding(ind, centroids.T) -> gather rows of centroids.T
    x_quantized = jnp.take(centroids.T, centroids_ind, axis=0)
    if x.ndim > 2:
        x_quantized = x_quantized.reshape(flat_shape)
        x_quantized = jnp.swapaxes(x_quantized, 1, -1)
    centroids_loss = jnp.mean((x - jax.lax.stop_gradient(x_quantized)) ** 2)
    x_quantized_st = x + jax.lax.stop_gradient(x_quantized - x)
    return x_quantized_st, centroids_loss

if __name__ == "__main__":
    import jax
    _d = setup_inputs()
    print(jax.jit(kernel)(*tuple(_d.values())))

</pallas_src>

<mosaic_0001>
#map = affine_map<(d0, d1) -> (0)>
#map1 = affine_map<(d0, d1) -> (0, 0, 0)>
module attributes {stable_mosaic.version = 14 : i64} {
  func.func @_sc_gather(%arg0: i32, %arg1: i32, %arg2: memref<262144xf32, #tpu.memory_space<hbm>>, %arg3: memref<4608xi32, #tpu.memory_space<hbm>>, %arg4: memref<8x256x576xf32, #tpu.memory_space<hbm>>, %arg5: memref<8192xf32, #tpu.memory_space<vmem>>, %arg6: memref<4608xi32, #tpu.memory_space<vmem>>, %arg7: memref<8x8x576xf32, #tpu.memory_space<vmem>>) attributes {dimension_semantics = [#tpu.dimension_semantics<core_parallel>, #tpu.dimension_semantics<subcore_parallel>], iteration_bounds = array<i64: 2, 16>, scalar_prefetch = 0 : i64, scratch_operands = 3 : i64, tpu.core_type = #tpu.core_type<sc_vector_subcore>, window_params = [{transform_indices = #map}, {transform_indices = #map}, {transform_indices = #map1}]} {
    %mul3A = arith.constant 2 : i32
    %mul3A_0 = arith.muli %arg1, %mul3A : i32
    %add3A = arith.addi %mul3A_0, %arg0 : i32
    %mul3A_1 = arith.constant 8 : i32
    %mul3A_2 = arith.muli %add3A, %mul3A_1 : i32
    %mul3A_3 = arith.constant 1024 : i32
    %mul3A_4 = arith.muli %mul3A_2, %mul3A_3 : i32
    "tpu.region"() ({
      %run_scoped3A = tpu.sem_alloc : memref<!tpu.dma_semaphore, #tpu.memory_space<semaphore_mem>>
      %dma_start3A = tpu.memref_slice %arg2[%mul3A_4] : memref<262144xf32, #tpu.memory_space<hbm>> -> memref<8192xf32, #tpu.memory_space<hbm>>
      %dma_start3A_11 = tpu.memref_slice %arg2[%mul3A_4] : memref<262144xf32, #tpu.memory_space<hbm>> -> memref<8192xf32, #tpu.memory_space<hbm>>
      tpu.enqueue_dma source(%dma_start3A_11 : memref<8192xf32, #tpu.memory_space<hbm>>) target(%arg5 : memref<8192xf32, #tpu.memory_space<vmem>>) target_semaphore(%run_scoped3A : memref<!tpu.dma_semaphore, #tpu.memory_space<semaphore_mem>>)
      %dma_wait3A = tpu.memref_slice %arg2[%mul3A_4] : memref<262144xf32, #tpu.memory_space<hbm>> -> memref<8192xf32, #tpu.memory_space<hbm>>
      %dma_wait3A_12 = tpu.memref_slice %arg2[%mul3A_4] : memref<262144xf32, #tpu.memory_space<hbm>> -> memref<8192xf32, #tpu.memory_space<hbm>>
      tpu.wait_dma2 semaphore(%run_scoped3A : memref<!tpu.dma_semaphore, #tpu.memory_space<semaphore_mem>>) src(%dma_wait3A_12 : memref<8192xf32, #tpu.memory_space<hbm>>) dst(%arg5 : memref<8192xf32, #tpu.memory_space<vmem>>)
      tpu.yield
    }) : () -> ()
    "tpu.region"() ({
      %run_scoped3A = tpu.sem_alloc : memref<!tpu.dma_semaphore, #tpu.memory_space<semaphore_mem>>
      tpu.enqueue_dma source(%arg3 : memref<4608xi32, #tpu.memory_space<hbm>>) target(%arg6 : memref<4608xi32, #tpu.memory_space<vmem>>) target_semaphore(%run_scoped3A : memref<!tpu.dma_semaphore, #tpu.memory_space<semaphore_mem>>)
      tpu.wait_dma2 semaphore(%run_scoped3A : memref<!tpu.dma_semaphore, #tpu.memory_space<semaphore_mem>>) src(%arg3 : memref<4608xi32, #tpu.memory_space<hbm>>) dst(%arg6 : memref<4608xi32, #tpu.memory_space<vmem>>)
      tpu.yield
    }) : () -> ()
    %scan3A = arith.constant 0 : i32
    %scan3A_5 = arith.constant 0 : i32
    %scan3A_6 = arith.constant 8 : i32
    %scan3A_7 = arith.addi %scan3A_5, %scan3A_6 : i32
    %scan3A_8 = arith.constant 1 : i32
    %scan3A_9 = scf.for %scan3A_11 = %scan3A_5 to %scan3A_7 step %scan3A_8 iter_args(%scan3A_12 = %scan3A) -> (i32)  : i32 {
      %mul3A_13 = arith.constant 576 : i32
      %mul3A_14 = arith.muli %scan3A_11, %mul3A_13 : i32
      %scan3A_15 = arith.constant 0 : i32
      %scan3A_16 = arith.constant 0 : i32
      %scan3A_17 = arith.constant 36 : i32
      %scan3A_18 = arith.addi %scan3A_16, %scan3A_17 : i32
      %scan3A_19 = arith.constant 2 : i32
      %scan3A_20 = scf.for %scan3A_23 = %scan3A_16 to %scan3A_18 step %scan3A_19 iter_args(%scan3A_24 = %scan3A_15) -> (i32)  : i32 {
        %mul3A_25 = arith.constant 16 : i32
        %mul3A_26 = arith.muli %scan3A_23, %mul3A_25 : i32
        %add3A_27 = arith.addi %mul3A_14, %mul3A_26 : i32
        %get3A = arith.index_cast %add3A_27 : i32 to index
        %get3A_28 = tpu.vector_load %arg6[%get3A] {strides = array<i32>} : memref<4608xi32, #tpu.memory_space<vmem>>, vector<16xi32>,
        %add3A_29 = arith.constant 0 : i32
        %add3A_30 = vector.broadcast %add3A_29 : i32 to vector<16xi32>
        %add3A_31 = arith.addi %get3A_28, %add3A_30 : vector<16xi32>
        %gather3A = tpu.vector_load_idx %arg5[%add3A_31] : memref<8192xf32, #tpu.memory_space<vmem>>[vector<16xi32>], vector<16xf32>,
        %swap3A = arith.constant 0 : i32
        %swap3A_32 = arith.index_cast %scan3A_11 : i32 to index
        %swap3A_33 = arith.index_cast %swap3A : i32 to index
        %swap3A_34 = arith.index_cast %mul3A_26 : i32 to index
        %swap3A_35 = tpu.vector_load %arg7[%swap3A_32, %swap3A_33, %swap3A_34] {strides = array<i32>} : memref<8x8x576xf32, #tpu.memory_space<vmem>>, vector<16xf32>,
        tpu.vector_store %arg7[%swap3A_32, %swap3A_33, %swap3A_34], %gather3A {strides = array<i32>} : memref<8x8x576xf32, #tpu.memory_space<vmem>>, vector<16xf32>,
        %scan3A_36 = arith.constant 0 : i32
        %scan3A_37 = arith.constant 1 : i32
        %scan3A_38 = arith.addi %scan3A_23, %scan3A_37 : i32
        %mul3A_39 = arith.constant 16 : i32
        %mul3A_40 = arith.muli %scan3A_38, %mul3A_39 : i32
        %add3A_41 = arith.addi %mul3A_14, %mul3A_40 : i32
        %get3A_42 = arith.index_cast %add3A_41 : i32 to index
        %get3A_43 = tpu.vector_load %arg6[%get3A_42] {strides = array<i32>} : memref<4608xi32, #tpu.memory_space<vmem>>, vector<16xi32>,
        %add3A_44 = arith.constant 0 : i32
        %add3A_45 = vector.broadcast %add3A_44 : i32 to vector<16xi32>
        %add3A_46 = arith.addi %get3A_43, %add3A_45 : vector<16xi32>
        %gather3A_47 = tpu.vector_load_idx %arg5[%add3A_46] : memref<8192xf32, #tpu.memory_space<vmem>>[vector<16xi32>], vector<16xf32>,
        %swap3A_48 = arith.constant 0 : i32
        %swap3A_49 = arith.index_cast %scan3A_11 : i32 to index
        %swap3A_50 = arith.index_cast %swap3A_48 : i32 to index
        %swap3A_51 = arith.index_cast %mul3A_40 : i32 to index
        %swap3A_52 = tpu.vector_load %arg7[%swap3A_49, %swap3A_50, %swap3A_51] {strides = array<i32>} : memref<8x8x576xf32, #tpu.memory_space<vmem>>, vector<16xf32>,
        tpu.vector_store %arg7[%swap3A_49, %swap3A_50, %swap3A_51], %gather3A_47 {strides = array<i32>} : memref<8x8x576xf32, #tpu.memory_space<vmem>>, vector<16xf32>,
        %scan3A_53 = arith.constant 0 : i32
        scf.yield %scan3A_53 : i32
      }
      %scan3A_21 = arith.constant 36 : i32
      %scan3A_22 = arith.constant 0 : i32
      scf.yield %scan3A_22 : i32
    }
    %scan3A_10 = arith.constant 8 : i32
    "tpu.region"() ({
      %run_scoped3A = tpu.sem_alloc : memref<!tpu.dma_semaphore, #tpu.memory_space<semaphore_mem>>
      %dma_start3A = arith.constant 0 : i32
      %dma_start3A_11 = arith.constant 0 : i32
      %dma_start3A_12 = tpu.memref_slice %arg4[%dma_start3A, %mul3A_2, %dma_start3A_11] : memref<8x256x576xf32, #tpu.memory_space<hbm>> -> memref<8x8x576xf32, #tpu.memory_space<hbm>>
      %dma_start3A_13 = arith.constant 0 : i32
      %dma_start3A_14 = arith.constant 0 : i32
      %dma_start3A_15 = tpu.memref_slice %arg4[%dma_start3A_13, %mul3A_2, %dma_start3A_14] : memref<8x256x576xf32, #tpu.memory_space<hbm>> -> memref<8x8x576xf32, #tpu.memory_space<hbm>>
      tpu.enqueue_dma source(%arg7 : memref<8x8x576xf32, #tpu.memory_space<vmem>>) target(%dma_start3A_15 : memref<8x8x576xf32, #tpu.memory_space<hbm>>) target_semaphore(%run_scoped3A : memref<!tpu.dma_semaphore, #tpu.memory_space<semaphore_mem>>)
      %dma_wait3A = arith.constant 0 : i32
      %dma_wait3A_16 = arith.constant 0 : i32
      %dma_wait3A_17 = tpu.memref_slice %arg4[%dma_wait3A, %mul3A_2, %dma_wait3A_16] : memref<8x256x576xf32, #tpu.memory_space<hbm>> -> memref<8x8x576xf32, #tpu.memory_space<hbm>>
      %dma_wait3A_18 = arith.constant 0 : i32
      %dma_wait3A_19 = arith.constant 0 : i32
      %dma_wait3A_20 = tpu.memref_slice %arg4[%dma_wait3A_18, %mul3A_2, %dma_wait3A_19] : memref<8x256x576xf32, #tpu.memory_space<hbm>> -> memref<8x8x576xf32, #tpu.memory_space<hbm>>
      tpu.wait_dma2 semaphore(%run_scoped3A : memref<!tpu.dma_semaphore, #tpu.memory_space<semaphore_mem>>) src(%arg7 : memref<8x8x576xf32, #tpu.memory_space<vmem>>) dst(%dma_wait3A_20 : memref<8x8x576xf32, #tpu.memory_space<hbm>>)
      tpu.yield
    }) : () -> ()
    return
  }
}

module attributes {stable_mosaic.version = 14 : i64} {
  func.func @_tc_body(%arg0: i32, %arg1: memref<4x256x576xf32, #tpu.memory_space<vmem>>, %arg2: memref<256x1024xf32, #tpu.memory_space<vmem>>, %arg3: memref<4x1x576xi32, #tpu.memory_space<vmem>>, %arg4: memref<1x1xf32, #tpu.memory_space<smem>>) attributes {dimension_semantics = [#tpu.dimension_semantics<arbitrary>], iteration_bounds = array<i64: 2>, scalar_prefetch = 0 : i64, scratch_operands = 0 : i64, tpu.core_type = #tpu.core_type<tc>, window_params = [{transform_indices = @transform_0, window_bounds = array<i64: 4, 256, 576>}, {pipeline_mode = #tpu.pipeline_mode<synchronous>, transform_indices = @transform_1, window_bounds = array<i64: 256, 1024>}, {transform_indices = @transform_2, window_bounds = array<i64: 4, 1, 576>}, {transform_indices = @transform_3, window_bounds = array<i64: 1, 1>}]} {
    %get3A = arith.constant 0 : index
    %get3A_0 = arith.constant 0 : index
    %get3A_1 = vector.load %arg2[%get3A, %get3A_0] : memref<256x1024xf32, #tpu.memory_space<vmem>>, vector<256x1024xf32>
    %mul3A = arith.mulf %get3A_1, %get3A_1 : vector<256x1024xf32>
    %reduce_sum3A = arith.constant dense<0.000000e+00> : vector<1024xf32>
    %reduce_sum3A_2 = vector.multi_reduction <add>, %mul3A, %reduce_sum3A [0] : vector<256x1024xf32> to vector<1024xf32>
    %broadcast_in_dim3A = vector.shape_cast %reduce_sum3A_2 : vector<1024xf32> to vector<1x1024xf32>
    %get3A_3 = arith.constant 0 : index
    %get3A_4 = arith.constant 0 : index
    %get3A_5 = arith.constant 0 : index
    %get3A_6 = vector.load %arg1[%get3A_3, %get3A_4, %get3A_5] : memref<4x256x576xf32, #tpu.memory_space<vmem>>, vector<1x256x576xf32>
    %get3A_7 = vector.shape_cast %get3A_6 : vector<1x256x576xf32> to vector<256x576xf32>
    %dot_general3A = arith.constant dense<0.000000e+00> : vector<1024x576xf32>
    %dot_general3A_8 = tpu.matmul %get3A_1, %get3A_7, %dot_general3A {dimension_numbers = #tpu.dot_dimension_numbers<[0], [0], [1], [1], [0, 1, 1, 1], [], []>, transpose_lhs_hint = false} : vector<256x1024xf32>, vector<256x576xf32>, vector<1024x576xf32> -> vector<1024x576xf32>
    %transpose3A = tpu.transpose %broadcast_in_dim3A, [1, 0] : vector<1x1024xf32> -> vector<1024x1xf32>
    %mul3A_9 = arith.constant 2.000000e+00 : f32
    %mul3A_10 = vector.broadcast %mul3A_9 : f32 to vector<1024x576xf32>
    %mul3A_11 = arith.mulf %mul3A_10, %dot_general3A_8 : vector<1024x576xf32>
    %sub3A = vector.broadcast %transpose3A : vector<1024x1xf32> to vector<1024x576xf32>
    %sub3A_12 = arith.subf %sub3A, %mul3A_11 : vector<1024x576xf32>
    %argmin3A = tpu.reduce_index %sub3A_12 {axis = 0 : i32, kind = #tpu.reduction_kind<arg_min>} : vector<1024x576xf32> -> vector<576xi32>
    %swap3A = arith.constant 0 : index
    %swap3A_13 = arith.constant 0 : index
    %swap3A_14 = arith.constant 0 : index
    %swap3A_15 = vector.load %arg3[%swap3A, %swap3A_13, %swap3A_14] : memref<4x1x576xi32, #tpu.memory_space<vmem>>, vector<1x1x576xi32>
    %swap3A_16 = vector.shape_cast %swap3A_15 : vector<1x1x576xi32> to vector<576xi32>
    %swap3A_17 = vector.shape_cast %argmin3A : vector<576xi32> to vector<1x1x576xi32>
    tpu.vector_store %arg3[%swap3A, %swap3A_13, %swap3A_14], %swap3A_17 {strides = array<i32>} : memref<4x1x576xi32, #tpu.memory_space<vmem>>, vector<1x1x576xi32>,
    %reduce_min3A = arith.constant dense<0x7F800000> : vector<576xf32>
    %reduce_min3A_18 = vector.multi_reduction <minimumf>, %sub3A_12, %reduce_min3A [0] : vector<1024x576xf32> to vector<576xf32>
    %mul3A_19 = arith.mulf %get3A_7, %get3A_7 : vector<256x576xf32>
    %reduce_sum3A_20 = arith.constant dense<0.000000e+00> : vector<576xf32>
    %reduce_sum3A_21 = vector.multi_reduction <add>, %mul3A_19, %reduce_sum3A_20 [0] : vector<256x576xf32> to vector<576xf32>
    %add3A = arith.addf %reduce_sum3A_21, %reduce_min3A_18 : vector<576xf32>
    %reduce_sum3A_22 = vector.shape_cast %add3A : vector<576xf32> to vector<1x576xf32>
    %reduce_sum3A_23 = arith.constant dense<0.000000e+00> : vector<1xf32>
    %reduce_sum3A_24 = vector.multi_reduction <add>, %reduce_sum3A_22, %reduce_sum3A_23 [1] : vector<1x576xf32> to vector<1xf32>
    %reduce_sum3A_25 = vector.shape_cast %reduce_sum3A_24 : vector<1xf32> to vector<1x1xf32>
    %reduce_sum3A_26 = vector.extract %reduce_sum3A_25[0, 0] : f32 from vector<1x1xf32>
    %add3A_27 = arith.constant 0.000000e+00 : f32
    %add3A_28 = arith.addf %add3A_27, %reduce_sum3A_26 : f32
    %get3A_29 = arith.constant 1 : index
    %get3A_30 = arith.constant 0 : index
    %get3A_31 = arith.constant 0 : index
    %get3A_32 = vector.load %arg1[%get3A_29, %get3A_30, %get3A_31] : memref<4x256x576xf32, #tpu.memory_space<vmem>>, vector<1x256x576xf32>
    %get3A_33 = vector.shape_cast %get3A_32 : vector<1x256x576xf32> to vector<256x576xf32>
    %dot_general3A_34 = arith.constant dense<0.000000e+00> : vector<1024x576xf32>
    %dot_general3A_35 = tpu.matmul %get3A_1, %get3A_33, %dot_general3A_34 {dimension_numbers = #tpu.dot_dimension_numbers<[0], [0], [1], [1], [0, 1, 1, 1], [], []>, transpose_lhs_hint = false} : vector<256x1024xf32>, vector<256x576xf32>, vector<1024x576xf32> -> vector<1024x576xf32>
    %transpose3A_36 = tpu.transpose %broadcast_in_dim3A, [1, 0] : vector<1x1024xf32> -> vector<1024x1xf32>
    %mul3A_37 = arith.constant 2.000000e+00 : f32
    %mul3A_38 = vector.broadcast %mul3A_37 : f32 to vector<1024x576xf32>
    %mul3A_39 = arith.mulf %mul3A_38, %dot_general3A_35 : vector<1024x576xf32>
    %sub3A_40 = vector.broadcast %transpose3A_36 : vector<1024x1xf32> to vector<1024x576xf32>
    %sub3A_41 = arith.subf %sub3A_40, %mul3A_39 : vector<1024x576xf32>
    %argmin3A_42 = tpu.reduce_index %sub3A_41 {axis = 0 : i32, kind = #tpu.reduction_kind<arg_min>} : vector<1024x576xf32> -> vector<576xi32>
    %swap3A_43 = arith.constant 1 : index
    %swap3A_44 = arith.constant 0 : index
    %swap3A_45 = arith.constant 0 : index
    %swap3A_46 = vector.load %arg3[%swap3A_43, %swap3A_44, %swap3A_45] : memref<4x1x576xi32, #tpu.memory_space<vmem>>, vector<1x1x576xi32>
    %swap3A_47 = vector.shape_cast %swap3A_46 : vector<1x1x576xi32> to vector<576xi32>
    %swap3A_48 = vector.shape_cast %argmin3A_42 : vector<576xi32> to vector<1x1x576xi32>
    tpu.vector_store %arg3[%swap3A_43, %swap3A_44, %swap3A_45], %swap3A_48 {strides = array<i32>} : memref<4x1x576xi32, #tpu.memory_space<vmem>>, vector<1x1x576xi32>,
    %reduce_min3A_49 = arith.constant dense<0x7F800000> : vector<576xf32>
    %reduce_min3A_50 = vector.multi_reduction <minimumf>, %sub3A_41, %reduce_min3A_49 [0] : vector<1024x576xf32> to vector<576xf32>
    %mul3A_51 = arith.mulf %get3A_33, %get3A_33 : vector<256x576xf32>
    %reduce_sum3A_52 = arith.constant dense<0.000000e+00> : vector<576xf32>
    %reduce_sum3A_53 = vector.multi_reduction <add>, %mul3A_51, %reduce_sum3A_52 [0] : vector<256x576xf32> to vector<576xf32>
    %add3A_54 = arith.addf %reduce_sum3A_53, %reduce_min3A_50 : vector<576xf32>
    %reduce_sum3A_55 = vector.shape_cast %add3A_54 : vector<576xf32> to vector<1x576xf32>
    %reduce_sum3A_56 = arith.constant dense<0.000000e+00> : vector<1xf32>
    %reduce_sum3A_57 = vector.multi_reduction <add>, %reduce_sum3A_55, %reduce_sum3A_56 [1] : vector<1x576xf32> to vector<1xf32>
    %reduce_sum3A_58 = vector.shape_cast %reduce_sum3A_57 : vector<1xf32> to vector<1x1xf32>
    %reduce_sum3A_59 = vector.extract %reduce_sum3A_58[0, 0] : f32 from vector<1x1xf32>
    %add3A_60 = arith.addf %add3A_28, %reduce_sum3A_59 : f32
    %get3A_61 = arith.constant 2 : index
    %get3A_62 = arith.constant 0 : index
    %get3A_63 = arith.constant 0 : index
    %get3A_64 = vector.load %arg1[%get3A_61, %get3A_62, %get3A_63] : memref<4x256x576xf32, #tpu.memory_space<vmem>>, vector<1x256x576xf32>
    %get3A_65 = vector.shape_cast %get3A_64 : vector<1x256x576xf32> to vector<256x576xf32>
    %dot_general3A_66 = arith.constant dense<0.000000e+00> : vector<1024x576xf32>
    %dot_general3A_67 = tpu.matmul %get3A_1, %get3A_65, %dot_general3A_66 {dimension_numbers = #tpu.dot_dimension_numbers<[0], [0], [1], [1], [0, 1, 1, 1], [], []>, transpose_lhs_hint = false} : vector<256x1024xf32>, vector<256x576xf32>, vector<1024x576xf32> -> vector<1024x576xf32>
    %transpose3A_68 = tpu.transpose %broadcast_in_dim3A, [1, 0] : vector<1x1024xf32> -> vector<1024x1xf32>
    %mul3A_69 = arith.constant 2.000000e+00 : f32
    %mul3A_70 = vector.broadcast %mul3A_69 : f32 to vector<1024x576xf32>
    %mul3A_71 = arith.mulf %mul3A_70, %dot_general3A_67 : vector<1024x576xf32>
    %sub3A_72 = vector.broadcast %transpose3A_68 : vector<1024x1xf32> to vector<1024x576xf32>
    %sub3A_73 = arith.subf %sub3A_72, %mul3A_71 : vector<1024x576xf32>
    %argmin3A_74 = tpu.reduce_index %sub3A_73 {axis = 0 : i32, kind = #tpu.reduction_kind<arg_min>} : vector<1024x576xf32> -> vector<576xi32>
    %swap3A_75 = arith.constant 2 : index
    %swap3A_76 = arith.constant 0 : index
    %swap3A_77 = arith.constant 0 : index
    %swap3A_78 = vector.load %arg3[%swap3A_75, %swap3A_76, %swap3A_77] : memref<4x1x576xi32, #tpu.memory_space<vmem>>, vector<1x1x576xi32>
    %swap3A_79 = vector.shape_cast %swap3A_78 : vector<1x1x576xi32> to vector<576xi32>
    %swap3A_80 = vector.shape_cast %argmin3A_74 : vector<576xi32> to vector<1x1x576xi32>
    tpu.vector_store %arg3[%swap3A_75, %swap3A_76, %swap3A_77], %swap3A_80 {strides = array<i32>} : memref<4x1x576xi32, #tpu.memory_space<vmem>>, vector<1x1x576xi32>,
    %reduce_min3A_81 = arith.constant dense<0x7F800000> : vector<576xf32>
    %reduce_min3A_82 = vector.multi_reduction <minimumf>, %sub3A_73, %reduce_min3A_81 [0] : vector<1024x576xf32> to vector<576xf32>
    %mul3A_83 = arith.mulf %get3A_65, %get3A_65 : vector<256x576xf32>
    %reduce_sum3A_84 = arith.constant dense<0.000000e+00> : vector<576xf32>
    %reduce_sum3A_85 = vector.multi_reduction <add>, %mul3A_83, %reduce_sum3A_84 [0] : vector<256x576xf32> to vector<576xf32>
    %add3A_86 = arith.addf %reduce_sum3A_85, %reduce_min3A_82 : vector<576xf32>
    %reduce_sum3A_87 = vector.shape_cast %add3A_86 : vector<576xf32> to vector<1x576xf32>
    %reduce_sum3A_88 = arith.constant dense<0.000000e+00> : vector<1xf32>
    %reduce_sum3A_89 = vector.multi_reduction <add>, %reduce_sum3A_87, %reduce_sum3A_88 [1] : vector<1x576xf32> to vector<1xf32>
    %reduce_sum3A_90 = vector.shape_cast %reduce_sum3A_89 : vector<1xf32> to vector<1x1xf32>
    %reduce_sum3A_91 = vector.extract %reduce_sum3A_90[0, 0] : f32 from vector<1x1xf32>
    %add3A_92 = arith.addf %add3A_60, %reduce_sum3A_91 : f32
    %get3A_93 = arith.constant 3 : index
    %get3A_94 = arith.constant 0 : index
    %get3A_95 = arith.constant 0 : index
    %get3A_96 = vector.load %arg1[%get3A_93, %get3A_94, %get3A_95] : memref<4x256x576xf32, #tpu.memory_space<vmem>>, vector<1x256x576xf32>
    %get3A_97 = vector.shape_cast %get3A_96 : vector<1x256x576xf32> to vector<256x576xf32>
    %dot_general3A_98 = arith.constant dense<0.000000e+00> : vector<1024x576xf32>
    %dot_general3A_99 = tpu.matmul %get3A_1, %get3A_97, %dot_general3A_98 {dimension_numbers = #tpu.dot_dimension_numbers<[0], [0], [1], [1], [0, 1, 1, 1], [], []>, transpose_lhs_hint = false} : vector<256x1024xf32>, vector<256x576xf32>, vector<1024x576xf32> -> vector<1024x576xf32>
    %transpose3A_100 = tpu.transpose %broadcast_in_dim3A, [1, 0] : vector<1x1024xf32> -> vector<1024x1xf32>
    %mul3A_101 = arith.constant 2.000000e+00 : f32
    %mul3A_102 = vector.broadcast %mul3A_101 : f32 to vector<1024x576xf32>
    %mul3A_103 = arith.mulf %mul3A_102, %dot_general3A_99 : vector<1024x576xf32>
    %sub3A_104 = vector.broadcast %transpose3A_100 : vector<1024x1xf32> to vector<1024x576xf32>
    %sub3A_105 = arith.subf %sub3A_104, %mul3A_103 : vector<1024x576xf32>
    %argmin3A_106 = tpu.reduce_index %sub3A_105 {axis = 0 : i32, kind = #tpu.reduction_kind<arg_min>} : vector<1024x576xf32> -> vector<576xi32>
    %swap3A_107 = arith.constant 3 : index
    %swap3A_108 = arith.constant 0 : index
    %swap3A_109 = arith.constant 0 : index
    %swap3A_110 = vector.load %arg3[%swap3A_107, %swap3A_108, %swap3A_109] : memref<4x1x576xi32, #tpu.memory_space<vmem>>, vector<1x1x576xi32>
    %swap3A_111 = vector.shape_cast %swap3A_110 : vector<1x1x576xi32> to vector<576xi32>
    %swap3A_112 = vector.shape_cast %argmin3A_106 : vector<576xi32> to vector<1x1x576xi32>
    tpu.vector_store %arg3[%swap3A_107, %swap3A_108, %swap3A_109], %swap3A_112 {strides = array<i32>} : memref<4x1x576xi32, #tpu.memory_space<vmem>>, vector<1x1x576xi32>,
    %reduce_min3A_113 = arith.constant dense<0x7F800000> : vector<576xf32>
    %reduce_min3A_114 = vector.multi_reduction <minimumf>, %sub3A_105, %reduce_min3A_113 [0] : vector<1024x576xf32> to vector<576xf32>
    %mul3A_115 = arith.mulf %get3A_97, %get3A_97 : vector<256x576xf32>
    %reduce_sum3A_116 = arith.constant dense<0.000000e+00> : vector<576xf32>
    %reduce_sum3A_117 = vector.multi_reduction <add>, %mul3A_115, %reduce_sum3A_116 [0] : vector<256x576xf32> to vector<576xf32>
    %add3A_118 = arith.addf %reduce_sum3A_117, %reduce_min3A_114 : vector<576xf32>
    %reduce_sum3A_119 = vector.shape_cast %add3A_118 : vector<576xf32> to vector<1x576xf32>
    %reduce_sum3A_120 = arith.constant dense<0.000000e+00> : vector<1xf32>
    %reduce_sum3A_121 = vector.multi_reduction <add>, %reduce_sum3A_119, %reduce_sum3A_120 [1] : vector<1x576xf32> to vector<1xf32>
    %reduce_sum3A_122 = vector.shape_cast %reduce_sum3A_121 : vector<1xf32> to vector<1x1xf32>
    %reduce_sum3A_123 = vector.extract %reduce_sum3A_122[0, 0] : f32 from vector<1x1xf32>
    %add3A_124 = arith.addf %add3A_92, %reduce_sum3A_123 : f32
    %eq3A = arith.constant 0 : i32
    %eq3A_125 = arith.cmpi eq, %arg0, %eq3A : i32
    %convert_element_type3A = arith.extui %eq3A_125 : i1 to i32
    %cond3A = arith.constant 0 : i32
    %cond3A_126 = arith.cmpi ne, %convert_element_type3A, %cond3A : i32
    scf.if %cond3A_126 {
      %swap3A_139 = arith.constant 0.000000e+00 : f32
      %swap3A_140 = arith.constant 0 : index
      %swap3A_141 = arith.constant 0 : index
      %swap3A_142 = memref.load %arg4[%swap3A_140, %swap3A_141] : memref<1x1xf32, #tpu.memory_space<smem>>
      memref.store %swap3A_139, %arg4[%swap3A_140, %swap3A_141] : memref<1x1xf32, #tpu.memory_space<smem>>
    } else {
    }
    %get3A_127 = arith.constant 0 : index
    %get3A_128 = arith.constant 0 : index
    %get3A_129 = memref.load %arg4[%get3A_127, %get3A_128] : memref<1x1xf32, #tpu.memory_space<smem>>
    %add3A_130 = arith.addf %get3A_129, %add3A_124 : f32
    %swap3A_131 = arith.constant 0 : index
    %swap3A_132 = arith.constant 0 : index
    %swap3A_133 = memref.load %arg4[%swap3A_131, %swap3A_132] : memref<1x1xf32, #tpu.memory_space<smem>>
    memref.store %add3A_130, %arg4[%swap3A_131, %swap3A_132] : memref<1x1xf32, #tpu.memory_space<smem>>
    %eq3A_134 = arith.constant 1 : i32
    %eq3A_135 = arith.cmpi eq, %arg0, %eq3A_134 : i32
    %convert_element_type3A_136 = arith.extui %eq3A_135 : i1 to i32
    %cond3A_137 = arith.constant 0 : i32
    %cond3A_138 = arith.cmpi ne, %convert_element_type3A_136, %cond3A_137 : i32
    scf.if %cond3A_138 {
      %get3A_139 = arith.constant 0 : index
      %get3A_140 = arith.constant 0 : index
      %get3A_141 = memref.load %arg4[%get3A_139, %get3A_140] : memref<1x1xf32, #tpu.memory_space<smem>>
      %div3A = arith.constant 0x49900000 : f32
      %div3A_142 = arith.divf %get3A_141, %div3A : f32
      %swap3A_143 = arith.constant 0 : index
      %swap3A_144 = arith.constant 0 : index
      %swap3A_145 = memref.load %arg4[%swap3A_143, %swap3A_144] : memref<1x1xf32, #tpu.memory_space<smem>>
      memref.store %div3A_142, %arg4[%swap3A_143, %swap3A_144] : memref<1x1xf32, #tpu.memory_space<smem>>
    } else {
    }
    return
  }
  func.func @transform_0(%arg0: i32) -> (i32, i32, i32) {
    %c0_i32 = arith.constant 0 : i32
    %c0_i32_0 = arith.constant 0 : i32
    %c0_i32_1 = arith.constant 0 : i32
    return %arg0, %c0_i32, %c0_i32_0 : i32, i32, i32
  }
  func.func @transform_1(%arg0: i32) -> (i32, i32) {
    %c0_i32 = arith.constant 0 : i32
    %c0_i32_0 = arith.constant 0 : i32
    %c0_i32_1 = arith.constant 0 : i32
    return %c0_i32, %c0_i32_0 : i32, i32
  }
  func.func @transform_2(%arg0: i32) -> (i32, i32, i32) {
    %c0_i32 = arith.constant 0 : i32
    %c0_i32_0 = arith.constant 0 : i32
    %c0_i32_1 = arith.constant 0 : i32
    return %arg0, %c0_i32, %c0_i32_0 : i32, i32, i32
  }
  func.func @transform_3(%arg0: i32) -> (i32, i32) {
    %c0_i32 = arith.constant 0 : i32
    %c0_i32_0 = arith.constant 0 : i32
    %c0_i32_1 = arith.constant 0 : i32
    return %c0_i32, %c0_i32_0 : i32, i32
  }
}

</mosaic_0001>

<sc_bundles>
// kernel: kernel.4.cloned.1.call-start
scs
__scs_entry_jumppad:
0x0: {  	(pc) =	sbr.rel $0x88, $3  }
0x1: {  	(tag) =	ssettag $0x0;
	lr =	simm.s32 $0x1  }
0x2: {  	[smem:$0x3F9F] =	sst lr;
	_ =	strace $0xD0000000  }
0x3: {  	_ = 	snop  }
0x4: {  	_ = 	snop  }
0x5: {  	_ = 	snop  }
0x6: {  	_ = 	snop  }
0x7: {  	_ = 	snop  }
__scs_overlays_trampoline_lowered:
0x8: {  	[smem:$0x3FAE] =	sst s0  }
0x9: {  	[smem:$0x3FAF] =	sst s1  }
0xa: {  	[smem:$0x3FB0] =	sst s2  }
0xb: {  	[smem:$0x3FB1] =	sst s3  }
0xc: {  	[smem:$0x3FB2] =	sst s4  }
0xd: {  	[smem:$0x3FB3] =	sst s5  }
0xe: {  	[smem:$0x3FB4] =	sst s6  }
0xf: {  	[smem:$0x3FB5] =	sst s7  }
0x10: {  	[smem:$0x3FB6] =	sst s8  }
0x11: {  	[smem:$0x3FB7] =	sst s9;
	s0 =	simm.s32 @!p0 $0x0  }
0x12: {  	s1 =	sld [smem:$0x3F9D];
	s0 =	simm.s32 @p0 $0x1  }
0x13: {  	[smem:$0x3FB8] =	sst s0;
	s0 =	simm.s32 @!p1 $0x0  }
0x14: {  	s2 =	sld [smem:$0x3F9C];
	s0 =	simm.s32 @p1 $0x1  }
0x15: {  	[smem:$0x3FB9] =	sst s0;
	s0 =	simm.s32 @!p2 $0x0  }
0x16: {  	s3 =	sld [smem:$0x3FDB];
	s0 =	simm.s32 @p2 $0x1  }
0x17: {  	s4 =	simm.s32 $0x1BF5;
	[smem:$0x3FBB] =	sst s0  }
0x18: {  	s0 =	sld [smem:$0x3F9E];
	_ =	swait.ge [sflag:s4], $0x0  }
0x19: {  	s7 =	sld [smem:$0x3F9F]  }
0x1a: {  	s8 =	sadd.s32 $0xFFFFE003, lr  }
0x1b: {  	s9 =	sadd.s32 $0xFFFFFEF7, lr;
	s5 =	simm.s32 $0xFFFFFFFF;
	p2 =	slt.u32 s8, $0xFFFFF086  }
0x1c: {  	p1 =	slt.u32 s9, $0xF7A;
	s5 =	simm.s32 @!p2 $0x0  }
0x1d: {  	s5 =	simm.s32 @p1 $0x1;
	p0 =	seq.s32 s7, s2  }
0x1e: {  	s7 =	smul.u32 @!p0 $0xF7A, s2;
	p2 =	seq.s32 @!p0 s5, $0x0  }
0x1f: {  	s9 =	smul.u32 $0xF7A, s1;
	s8 =	simm.s32 @!p0 $0x1BF5;
	p2 =	por !p2, p0  }
0x20: {  	[sflag:s8] =	ssyncset.s32 @!p0 $0xFFFFF086;
	s6 =	sadd.s32 @!p0 s3, s7;
	s7 =	simm.s32 @!p0 $0x108  }
0x21: {  	s3 =	sadd.s32 s3, s9;
	s6 =	sadd.s32 @!p0 $0x88, s6;
	s7 =	simm.s32 @p2 $0x1082  }
0x22: {  	[simem:s7], [sflag:s8] =	dma.local @!p0 [hbm:s6], $0xF7A  }
0x23: {  	s9 =	sor.u32 $0xD0000000, s2;
	s6 =	simm.s32 $0x108;
	_ =	swait.ge @!p0 [sflag:s8], $0x0  }
0x24: {  	s3 =	sadd.s32 $0x88, s3;
	s6 =	simm.s32 @!p1 $0x1082;
	[sflag:s4] =	ssyncset.s32 $0xFFFFF086  }
0x25: {  	[simem:s6], [sflag:s4] =	dma.local [hbm:s3], $0xF7A  }
0x26: {  	[smem:$0x3F9F] =	sst s1;
	(tag) =	ssettag s2;
	_ =	strace s9  }
0x27: {  	s1 =	sld [smem:$0x3FAF]  }
0x28: {  	s2 =	sld [smem:$0x3FB0]  }
0x29: {  	s4 =	sld [smem:$0x3FB2]  }
0x2a: {  	p0 =	seq.s32 s5, $0x0;
	s5 =	sld [smem:$0x3FB3]  }
0x2b: {  	s6 =	sld [smem:$0x3FB4]  }
0x2c: {  	s7 =	sld [smem:$0x3FB5]  }
0x2d: {  	s3 =	simm.s32 $0x108;
	s8 =	sld [smem:$0x3FB6]  }
0x2e: {  	s3 =	simm.s32 @!p0 $0x1082;
	s9 =	sld [smem:$0x3FB7]  }
0x2f: {  	lr =	sadd.s32 s0, s3;
	s0 =	sld [smem:$0x3FAE]  }
0x30: {  	s3 =	sld [smem:$0x3FB1]  }
0x31: {  	[smem:$0x3FBA] =	sst s10  }
0x32: {  	s10 =	sld [smem:$0x3FB8];
	_ =	sdelay $0x3  }
0x33: {  	p0 =	seq.s32 s10, $0x1;
	s10 =	sld [smem:$0x3FBA];
	_ =	sdelay $0x3  }
0x34: {  	[smem:$0x3FBA] =	sst s10  }
0x35: {  	s10 =	sld [smem:$0x3FB9];
	_ =	sdelay $0x3  }
0x36: {  	p1 =	seq.s32 s10, $0x1;
	s10 =	sld [smem:$0x3FBA];
	_ =	sdelay $0x3  }
0x37: {  	[smem:$0x3FBA] =	sst s10  }
0x38: {  	s10 =	sld [smem:$0x3FBB]  }
0x39: {  	_ = 	snop;
	(pc) =	sbr.ind lr, $3  }
0x3a: {  	_ = 	snop  }
0x3b: {  	_ = 	snop  }
0x3c: {  	p2 =	seq.s32 s10, $0x1;
	s10 =	sld [smem:$0x3FBA]  }
0x3d: {  	_ =	shalt  }
0x3e: {  	_ =	shalt  }
0x3f: {  	_ =	shalt  }
0x40: {  	_ =	shalt  }
0x41: {  	_ =	shalt  }
0x42: {  	_ =	shalt  }
0x43: {  	_ =	shalt  }
0x44: {  	_ =	shalt  }
0x45: {  	_ =	shalt  }
0x46: {  	_ =	shalt  }
0x47: {  	_ =	shalt  }
0x48: {  	_ =	shalt  }
0x49: {  	_ =	shalt  }
0x4a: {  	_ =	shalt  }
0x4b: {  	_ =	shalt  }
0x4c: {  	_ =	shalt  }
0x4d: {  	_ =	shalt  }
0x4e: {  	_ =	shalt  }
0x4f: {  	_ =	shalt  }
0x50: {  	_ =	shalt  }
0x51: {  	_ =	shalt  }
0x52: {  	_ =	shalt  }
0x53: {  	_ =	shalt  }
0x54: {  	_ =	shalt  }
0x55: {  	_ =	shalt  }
0x56: {  	_ =	shalt  }
0x57: {  	_ =	shalt  }
0x58: {  	_ =	shalt  }
0x59: {  	_ =	shalt  }
0x5a: {  	_ =	shalt  }
0x5b: {  	_ =	shalt  }
0x5c: {  	_ =	shalt  }
0x5d: {  	_ =	shalt  }
0x5e: {  	_ =	shalt  }
0x5f: {  	_ =	shalt  }
0x60: {  	_ =	shalt  }
0x61: {  	_ =	shalt  }
0x62: {  	_ =	shalt  }
0x63: {  	_ =	shalt  }
0x64: {  	_ =	shalt  }
0x65: {  	_ =	shalt  }
0x66: {  	_ =	shalt  }
0x67: {  	_ =	shalt  }
0x68: {  	_ =	shalt  }
0x69: {  	_ =	shalt  }
0x6a: {  	_ =	shalt  }
0x6b: {  	_ =	shalt  }
0x6c: {  	_ =	shalt  }
0x6d: {  	_ =	shalt  }
0x6e: {  	_ =	shalt  }
0x6f: {  	_ =	shalt  }
0x70: {  	_ =	shalt  }
0x71: {  	_ =	shalt  }
0x72: {  	_ =	shalt  }
0x73: {  	_ =	shalt  }
0x74: {  	_ =	shalt  }
0x75: {  	_ =	shalt  }
0x76: {  	_ =	shalt  }
0x77: {  	_ =	shalt  }
0x78: {  	_ =	shalt  }
0x79: {  	_ =	shalt  }
0x7a: {  	_ =	shalt  }
0x7b: {  	_ =	shalt  }
0x7c: {  	_ =	shalt  }
0x7d: {  	_ =	shalt  }
0x7e: {  	_ =	shalt  }
0x7f: {  	_ =	shalt  }
0x80: {  	_ =	shalt  }
0x81: {  	_ =	shalt  }
0x82: {  	_ =	shalt  }
0x83: {  	_ =	shalt  }
0x84: {  	_ =	shalt  }
0x85: {  	_ =	shalt  }
0x86: {  	_ =	shalt  }
0x87: {  	_ =	shalt  }
.Lfunc_end0:
.L_simem_size_0:
called_computation_lowered:
.L_overlay_start_0:
0x88: {  	s2 =	sld [smem:$0x3FD9]  }
0x89: {  	s3 =	sld [smem:$0x3FFE];
	_ =	sdelay $0x1  }
0x8a: {  	s1 =	srdreg.scid  }
0x8b: {  	s0 =	sand.u32 $0x1, s1  }
0x8c: {  	s14 =	sshll.u32 s0, $0xA;
	s2 =	sadd.s32 s3, s2  }
0x8d: {  	s2 =	sadd.s32 s2, s14  }
0x8e: {  	[smem:$0x3FC6] =	sst s2  }
0x8f: {  	_ = 	snop  }
0x90: {  	s2 =	sld [smem:$0x3FD0];
	_ =	sdelay $0x2  }
0x91: {  	s15 =	simm.s32 $0xA;
	s4 =	simm.s32 $0x10  }
0x92: {  	[smem:s4], [sflag:s15] =	dma.local [hbm:s2], $0x1  }
0x93: {  	_ =	swait.eq [sflag:s15], $0x1  }
0x94: {  	[sflag:s15] =	ssyncset.done $0x0  }
0x95: {  	[sflag:s15] =	ssyncadd.s32 $0xFFFFFFFF  }
0x96: {  	s16 =	sld [smem:$0x10];
	(tm) =	ssettm $0x1  }
0x97: {  	s17 =	sld [smem:$0x3FFB];
	_ =	sdelay $0x3  }
0x98: {  	_ =	strace s17  }
0x99: {  	s3 =	sld [smem:$0x3FFC];
	_ =	sdelay $0x3  }
0x9a: {  	_ =	strace s3  }
0x9b: {  	s3 =	sld [smem:$0x3FFD];
	_ =	sdelay $0x3  }
0x9c: {  	_ =	strace s3  }
0x9d: {  	_ =	strace $0x8FFFFFFF  }
0x9e: {  	s18 =	sld [smem:$0x3FDB];
	_ =	sdelay $0x1  }
0x9f: {  	s19 =	simm.s32 $_scs_section_size  }
0xa0: {  	s5 =	simm.s32 $_size__tile_overlayer_lowered;
	s6 =	simm.s32 $_tile_overlayer_lowered  }
0xa1: {  	s22 =	simm.s32 $0x1BFF;
	s21 =	sshll.u32 s6, $0x1;
	s3 =	sadd.s32 s19, s18  }
0xa2: {  	s7 =	simm.s32 $0x0;
	s20 =	sshll.u32 s5, $0x1;
	s5 =	sadd.s32 s21, s3  }
0xa3: {  	[timem:s7], [sflag:s22] =	dma.local [hbm:s5], s20  }
0xa4: {  	_ =	swait.ge [sflag:s22], s20  }
0xa5: {  	s4 =	ssub.s32 $0x0, s20;
	[sflag:s22] =	ssyncset.done $0x0  }
0xa6: {  	[sflag:s22] =	ssyncadd.s32 s4;
	_ =	sdelay $0x1  }
0xa7: {  	s23 =	simm.s32 $0x1B8B  }
0xa8: {  	_ =	swait.ge [sflag:s23], $0x1  }
0xa9: {  	[sflag:s23] =	ssyncset.done $0x0  }
0xaa: {  	s25 =	simm.s32 $0x1B8E;
	s24 =	sld [smem:$0x3FFE];
	[sflag:s23] =	ssyncadd.s32 $0xFFFFFFFF  }
0xab: {  	s26 =	simm.s32 $execute0_lowered;
	[smem:$0x3FD2] =	sst s25  }
0xac: {  	s5 =	sshll.u32 s26, $0x1;
	_ =	strace $0x80000046;
	[dreg:$0x1] =	wrdreg $0xFFFFFFFF  }
0xad: {  	s28 =	simm.s32 $_size_execute0_lowered;
	s3 =	sadd.s32 s3, s5;
	[dreg:$0x0] =	wrdreg $0x0  }
0xae: {  	s5 =	sshll.u32 s28, $0x1;
	[dreg:$0x2] =	wrdreg s3  }
0xaf: {  	[dreg:$0x3] =	wrdreg s5  }
0xb0: {  	[dreg:$0x4] =	wrdreg $0xC0  }
0xb1: {  	_ =	task [dreg:s7], $0x5FFFF  }
0xb2: {  	[dreg:$0x1] =	wrdreg $0xFFFFFFFF  }
0xb3: {  	[dreg:$0x0] =	wrdreg $0x60  }
0xb4: {  	[dreg:$0x2] =	wrdreg s16  }
0xb5: {  	[dreg:$0x3] =	wrdreg s24  }
0xb6: {  	[dreg:$0x4] =	wrdreg $0x9  }
0xb7: {  	_ =	task.clear_ibuf [dreg:s7], $0x5FFFF;
	_ =	strace $0x90000046  }
0xb8: {  	s29 =	simm.s32 $0x9;
	_ =	strace $0x80000048  }
0xb9: {  	_ =	swait.ge [sflag:s29], $0x1  }
0xba: {  	[sflag:s29] =	ssyncadd.s32 $0xFFFFFFFF  }
0xbb: {  	_ =	strace $0x90000048  }
0xbc: {  	_ =	sfence  }
0xbd: {  	s30 =	sld [smem:$0x0];
	_ =	sdelay $0x2  }
0xbe: {  	s31 =	sshll.u32 s1, $0xD;
	s1 =	sshrl.u32 s1, $0x2  }
0xbf: {  	s3 =	sand.u32 $0x4000, s31;
	s1 =	sadd.s32 s1, s30  }
0xc0: {  	s0 =	sor.u32 s3, s0;
	s1 =	sshll.u32 s1, $0x11  }
0xc1: {  	s0 =	sor.u32 s1, s0  }
0xc2: {  	s0 =	sadd.s32 $0x8F2B, s0  }
0xc3: {  	[sflag:s0] =	ssyncadd.remote.s32 $0x1  }
0xc4: {  	_ =	sfence.sel $0xFFFF  }
0xc5: {  	[dreg:$0x0] =	wrdreg $0xFFFFFFFF;
	(pc) =	sbr.abs _section_cstart, $3  }
0xc6: {  	[dreg:$0x1] =	wrdreg $0xFFFFFFFF  }
0xc7: {  	_ =	task.clear_ibuf [dreg:s7], $0x2FFFF;
	_ =	strace $0x9FFFFFFF  }
0xc8: {  	(tm) =	ssettm $0x7FFFFFFF  }
0xc9: {  	_ =	shalt  }
tec
execute0_lowered:
.L_overlay_start_1:
0x0: {  	(tag) =	ssettag $0x1  }
0x1: {  	s4 =	rddreg [dreg:$0x0]  }
0x2: {  	s1 =	srdreg.scid;
	s0 =	stileid.u32  }
0x3: {  	s5 =	rddreg [dreg:$0x1];
	s2 =	simm.s32 $0x0;
	s10 =	simm.s32 $0x28000  }
0x4: {  	s11 =	simm.s32 $0x3200;
	s3 =	sand.u32 $0x1, s1;
	s1 =	rddreg [dreg:$0x2]  }
0x5: {  	s12 =	simm.s32 $0x0;
	s6 =	sshll.u32 s0, $0x1;
	[smem:$0x7FF] =	sst s2  }
0x6: {  	s6 =	sor.u32 s3, s6;
	s8 =	ssub.s32 $0x2, s3;
	_ =	strace $0x80000047  }
0x7: {  	s7 =	smul.u32 $0x280, s6;
	s9 =	sshrl.u32 s8, $0x1;
	s6 =	sshll.u32 s6, $0xA  }
0x8: {  	s3 =	sadd.s32 $0x400, s5;
	s31 =	ssub.s32 s8, s9;
	s4 =	sadd.s32 s4, s6  }
0x9: {  	s8 =	simm.s32 $0x2000;
	s9 =	simm.s32 $0x1400;
	s5 =	sadd.s32 s7, s5  }
0xa: {  	s6 =	smax.u32 s31, $0x1;
	s7 =	simm.s32 $0x1;
	s5 =	sadd.s32 $0x800, s5  }
.LBB2_1:
0xb: {  	[tilespmem:s2], [sflag:$0x1] =	stream.linear.gather [hbm4b:s4+s2], $0x2000, $0x38;
	[tilespmem:$0xD200] =	vst v63  }
0xc: {  	_ =	swait.ge [sflag:s7], $0x2000  }
0xd: {  	[sflag:s7] =	ssyncset.done $0x0  }
0xe: {  	[sflag:s7] =	ssyncadd.s32 $0xFFFFE000  }
0xf: {  	[tilespmem:s8], [sflag:$0x1] =	stream.linear.gather [hbm4b:s3+s2], $0x1200, $0x38;
	[tilespmem:$0xD200] =	vst v63  }
0x10: {  	_ =	swait.ge [sflag:s7], $0x1200  }
0x11: {  	[sflag:s7] =	ssyncset.done $0x0  }
0x12: {  	s13 =	simm.s32 $0x2010;
	s14 =	simm.s32 $0x0;
	[sflag:s7] =	ssyncadd.s32 $0xFFFFEE00  }
.LBB2_2:
0x13: {  	s15 =	smul.u32 $0x5000, s14;
	_ =	sdelay $0x1  }
0x14: {  	s16 =	simm.s32 $0xFFFFFFFE;
	s17 =	simm.s32 $0x0;
	s15 =	sshra.s32 s15, $0x2  }
0x15: {  	s18 =	simm.s32 $0x10;
	s19 =	smov.u32 s13;
	s15 =	sadd.s32 $0x3200, s15  }
.LBB2_3:
0x16: {  	v0 =	vld [tilespmem:s19+$0xFFFFFFF0];
	_ =	sdelay $0x7  }
0x17: {  	v0 =	vld.idx.msk [tilespmem:v0+s2+$0x0], $0xffff;
	_ =	sdelay $0x1  }
0x18: {  	s20 =	sadd.s32 $0xFFFFFFF0, s18;
	s21 =	sand.u32 $0x1C00, s17  }
0x19: {  	s20 =	sand.u32 $0x60, s20;
	s21 =	sadd.s32 s21, s15  }
0x1a: {  	s20 =	sadd.s32 s20, s21  }
0x1b: {  	[tilespmem:s20+$0x0] =	vst v0  }
0x1c: {  	v0 =	vld [tilespmem:s19+$0x0];
	_ =	sdelay $0x6  }
0x1d: {  	s16 =	sadd.s32 $0x2, s16  }
0x1e: {  	p0 =	slt.u32 s16, $0x22;
	v0 =	vld.idx.msk [tilespmem:v0+s2+$0x0], $0xffff  }
.Ltmp0:
0x1f: {  	_ = 	snop;
	(pc) =	sbr.rel @p0 .LBB2_3-.Ltmp0, $4  }
0x20: {  	_ = 	snop  }
0x21: {  	s31 =	sand.u32 $0x70, s18  }
0x22: {  	s20 =	sadd.s32 s31, s21  }
0x23: {  	s17 =	sadd.s32 $0x100, s17;
	s18 =	sadd.s32 $0x20, s18;
	s19 =	sadd.s32 $0x20, s19;
	[tilespmem:s20+$0x0] =	vst v0  }
0x24: {  	s14 =	sadd.s32 $0x1, s14  }
0x25: {  	p0 =	sne.s32 s14, $0x8  }
.Ltmp1:
0x26: {  	_ = 	snop;
	(pc) =	sbr.rel @p0 .LBB2_2-.Ltmp1, $2  }
0x27: {  	_ =	sdelay $0x2  }
0x28: {  	s13 =	sadd.s32 $0x240, s13  }
0x29: {  	s12 =	sadd.s32 $0x1, s12  }
0x2a: {  	p0 =	sne.s32 s12, s6  }
.Ltmp2:
0x2b: {  	_ = 	snop;
	(pc) =	sbr.rel @p0 .LBB2_1-.Ltmp2, $4  }
0x2c: {  	[hbm4b:s5+s9] =	stream.strided.scatter [tilespmem:s11], [sflag:$0x1], $0xA000, s10, s9, $0x38;
	[tilespmem:$0xD200] =	vst v63  }
0x2d: {  	_ =	swait.ge [sflag:s7], $0xA000  }
0x2e: {  	[sflag:s7] =	ssyncset.done $0x0  }
0x2f: {  	[sflag:s7] =	ssyncadd.s32 $0xFFFF6000  }
0x30: {  	_ =	sfence.sel $0x180000  }
0x31: {  	[bflag:$0x0] =	sbarrier.arrive $0xFFFF  }
0x32: {  	p0 =	sne.s32 s0, $0x0;
	_ =	strace $0x90000047  }
0x33: {  	s0 =	sadd.s32 @!p0 $0x100000, s1;
	[bflag:$0x2] =	sbarrier.arrive $0xFFFF  }
0x34: {  	[sflag:s0] =	ssyncadd.tile.s32 @!p0 $0x1;
	_ =	shalt  }
.Lfunc_end2:
_tile_overlayer_lowered:
.L_overlay_start_2:
0x35: {  	(tag) =	ssettag $0x2  }
0x36: {  	s0 =	rddreg [dreg:$0x0];
	s2 =	stileid.u32  }
0x37: {  	s1 =	rddreg [dreg:$0x1];
	p0 =	sne.s32 s2, $0x0  }
0x38: {  	s3 =	rddreg [dreg:$0x2];
	[bflag:$0x3] =	sbarrier.arrive $0xFFFF;
	s2 =	simm.s32 @!p0 $0x1C01  }
0x39: {  	[timem:s3], [sflag:s2] =	dma.local @!p0 [hbm:s0], s1  }
0x3a: {  	s0 =	simm.s32 @!p0 $0x1  }
0x3b: {  	_ =	swait.ge @!p0 [sflag:s0], s1  }
0x3c: {  	s1 =	ssub.s32 @!p0 $0x0, s1;
	[sflag:s0] =	ssyncset.done @!p0 $0x0  }
0x3d: {  	[sflag:s0] =	ssyncadd.s32 @!p0 s1  }
0x3e: {  	[bflag:$0x3] =	sbarrier.arrive $0xFFFF  }
0x3f: {  	_ =	shalt  }

</sc_bundles>
